<compile_context>
chip_gen: v7x
topology: tpu7x:2x2x1
jax: 0.10.2.dev20260603
libtpu: 0.0.44.dev20260713+nightly
codegen_flags: <defaults>
</compile_context>

<pallas_src>
import functools

import jax
import jax.numpy as jnp
from jax import lax
from jax.experimental import pallas as pl
from jax.experimental.pallas import tpu as pltpu
from jax.experimental.pallas import tpu_sc as plsc

N_REF = 1_000_000
D_IN = 128
D_PC = 32
KTOP = 16
LANES = 16
NWORKERS = 32
BLK = 8192
NBLK = (N_REF + BLK - 1) // BLK
N_PAD = NBLK * BLK
WORDS_PER_TILE = N_PAD // NWORKERS
TILE_BATCHES = WORDS_PER_TILE // LANES


def _dist_body(din_ref, tm_ref, ref_ref, o_ref):
    q = jnp.dot(din_ref[...], tm_ref[...],
                preferred_element_type=jnp.float32)
    x = ref_ref[...]
    d = jnp.sum(jnp.abs(x - q), axis=1)
    rows = pl.program_id(0) * BLK + lax.broadcasted_iota(jnp.int32, (BLK,), 0)
    o_ref[...] = jnp.where(rows < N_REF, d, jnp.inf)


_dist_tc = pl.pallas_call(
    _dist_body,
    grid=(NBLK,),
    in_specs=[
        pl.BlockSpec((1, D_IN), lambda b: (0, 0)),
        pl.BlockSpec((D_IN, D_PC), lambda b: (0, 0)),
        pl.BlockSpec((BLK, D_PC), lambda b: (b, 0)),
    ],
    out_specs=pl.BlockSpec((BLK,), lambda b: (b,)),
    out_shape=jax.ShapeDtypeStruct((N_PAD,), jnp.float32),
)


def _merge_top16(td, tp, nd, np_):
    sd, sp = plsc.sort_key_val(nd, np_, descending=True)
    take = td <= sd
    ld = jnp.where(take, td, sd)
    lp = jnp.where(take, tp, sp)
    od, op = plsc.sort_key_val(ld, lp)
    return od, op


def _topk_body(d_hbm, p_hbm, outd_hbm, outp_hbm, d_v, p_v, res_v, sem):
    cid = lax.axis_index("c")
    sid = lax.axis_index("s")
    wid = cid * 16 + sid
    base = wid * WORDS_PER_TILE

    H = WORDS_PER_TILE // 2
    pltpu.async_copy(d_hbm.at[pl.ds(base, H)], d_v.at[pl.ds(0, H)], sem)
    pltpu.async_copy(d_hbm.at[pl.ds(base + H, H)], d_v.at[pl.ds(H, H)], sem)
    pltpu.async_copy(p_hbm.at[pl.ds(base, H)], p_v.at[pl.ds(0, H)], sem)
    pltpu.async_copy(p_hbm.at[pl.ds(base + H, H)], p_v.at[pl.ds(H, H)], sem)
    for q in range(4):
        pltpu.make_async_copy(d_hbm.at[pl.ds(0, H)],
                              d_v.at[pl.ds(0, H)], sem).wait()

    def bstep(b, c2):
        topd, topp, thr = c2
        dv = d_v[pl.ds(b * LANES, LANES)]

        def merge(c3):
            pv = p_v[pl.ds(b * LANES, LANES)]
            sd, sp = _merge_top16(c3[0], c3[1], dv, pv)
            return (sd, sp, jnp.max(sd))

        return lax.cond(jnp.any(dv < thr), merge, lambda c3: c3, c2)

    carry = (jnp.full((LANES,), jnp.inf, jnp.float32),
             jnp.zeros((LANES,), jnp.float32),
             jnp.array(jnp.inf, jnp.float32))
    carry = lax.fori_loop(0, TILE_BATCHES, bstep, carry)

    res_v[pl.ds(0, 16)] = carry[0]
    res_v[pl.ds(16, 16)] = carry[1]
    pltpu.sync_copy(res_v.at[pl.ds(0, 16)], outd_hbm.at[pl.ds(wid * 16, 16)])
    pltpu.sync_copy(res_v.at[pl.ds(16, 16)], outp_hbm.at[pl.ds(wid * 16, 16)])


_topk_sc = functools.partial(
    pl.kernel,
    out_type=[jax.ShapeDtypeStruct((NWORKERS * 16,), jnp.float32),
              jax.ShapeDtypeStruct((NWORKERS * 16,), jnp.float32)],
    mesh=plsc.VectorSubcoreMesh(core_axis_name="c", subcore_axis_name="s"),
    compiler_params=pltpu.CompilerParams(needs_layout_passes=False),
    scratch_types=[
        pltpu.VMEM((WORDS_PER_TILE,), jnp.float32),
        pltpu.VMEM((WORDS_PER_TILE,), jnp.float32),
        pltpu.VMEM((32,), jnp.float32),
        pltpu.SemaphoreType.DMA,
    ],
)(_topk_body)


def _merge_tc_body(d_ref, p_ref, o_ref):
    d = d_ref[...]
    p = p_ref[...]
    ii = (lax.broadcasted_iota(jnp.int32, (4, 128), 0) * 128
          + lax.broadcasted_iota(jnp.int32, (4, 128), 1))

    def step(t, carry):
        s, dd = carry
        m = jnp.min(dd)
        eq = dd == m
        idx = jnp.min(jnp.where(eq, ii, jnp.int32(1 << 30)))
        sel = ii == idx
        s = s + jnp.sum(jnp.where(sel, p, 0.0))
        dd = jnp.where(sel, jnp.inf, dd)
        return (s, dd)

    s, _ = lax.fori_loop(0, KTOP, step, (jnp.float32(0.0), d))
    o_ref[0, 0] = s * (1.0 / KTOP)


_merge_tc = pl.pallas_call(
    _merge_tc_body,
    out_shape=jax.ShapeDtypeStruct((1, 1), jnp.float32),
    out_specs=pl.BlockSpec(memory_space=pltpu.SMEM),
)


def kernel(data_in, pseudotimes_arr, ref_data, transform_mat, K):
    del K
    dists = _dist_tc(data_in, transform_mat, ref_data)
    pts_p = jnp.pad(pseudotimes_arr, (0, N_PAD - N_REF))
    topd, topp = _topk_sc(dists, pts_p)
    merged = _merge_tc(topd.reshape(4, 128), topp.reshape(4, 128))
    return merged.reshape(1)

# --- scband reference (transcript-rebuilt; emitter-appended) ---
"""Pipeline reference for scband-c-ti-tf-layer-23983097381292 (READ-ONLY COPY).

The authoritative reference and input builder live on the scoring server;
editing this copy changes nothing except your own understanding.
"""

import jax, jax.numpy as jnp
import numpy as np

N_REF = 1000000
D_IN = 128
D_PC = 32


def setup_inputs(seed: int = 0) -> dict:
    key = jax.random.key(seed)
    k1, k2, k3, k4 = jax.random.split(key, 4)
    data_in = jax.random.normal(k1, (1, D_IN), dtype=jnp.float32)
    transform_mat = jax.random.normal(k2, (D_IN, D_PC), dtype=jnp.float32)
    ref_data = jax.random.normal(k3, (N_REF, D_PC), dtype=jnp.float32)
    pseudotimes_arr = jax.random.uniform(k4, (N_REF,), dtype=jnp.float32)
    return {
        "data_in": data_in,
        "pseudotimes_arr": pseudotimes_arr,
        "ref_data": ref_data,
        "transform_mat": transform_mat,
        "K": 16,
    }


def reference(data_in, pseudotimes_arr, ref_data, transform_mat, K):
    # project query into PC space
    data_in_pc = jnp.matmul(data_in, transform_mat)          # [1, D_PC]
    # L1 distance to every reference row (broadcast [1,D] - [N,D])
    diff = jnp.abs(data_in_pc - ref_data)                    # [N, D_PC]
    euc_dist = jnp.sum(diff, axis=1)                         # [N]
    # K nearest neighbours (ascending distance)
    top_k_ind = jnp.argsort(euc_dist)[0:16]                  # [K]
    inference_score = jnp.sum(jnp.take(pseudotimes_arr, top_k_ind, axis=0)) / K
    shaped_output = jnp.expand_dims(inference_score, 0)      # [1]
    return shaped_output

if __name__ == "__main__":
    import jax
    _d = setup_inputs()
    print(jax.jit(kernel)(*tuple(_d.values())))

</pallas_src>

<mosaic_0001>
#map = affine_map<(d0, d1) -> (0)>
module attributes {stable_mosaic.version = 14 : i64} {
  func.func @_topk_body(%arg0: i32, %arg1: i32, %arg2: memref<1007616xf32, #tpu.memory_space<hbm>>, %arg3: memref<1007616xf32, #tpu.memory_space<hbm>>, %arg4: memref<512xf32, #tpu.memory_space<hbm>>, %arg5: memref<512xf32, #tpu.memory_space<hbm>>, %arg6: memref<31488xf32, #tpu.memory_space<vmem>>, %arg7: memref<31488xf32, #tpu.memory_space<vmem>>, %arg8: memref<32xf32, #tpu.memory_space<vmem>>, %arg9: memref<!tpu.dma_semaphore, #tpu.memory_space<semaphore_mem>>) attributes {dimension_semantics = [#tpu.dimension_semantics<core_parallel>, #tpu.dimension_semantics<subcore_parallel>], iteration_bounds = array<i64: 2, 16>, scalar_prefetch = 0 : i64, scratch_operands = 4 : i64, tpu.core_type = #tpu.core_type<sc_vector_subcore>, window_params = [{transform_indices = #map}, {transform_indices = #map}, {transform_indices = #map}, {transform_indices = #map}]} {
    %mul3A = arith.constant 16 : i32
    %mul3A_0 = arith.muli %arg0, %mul3A : i32
    %add3A = arith.addi %mul3A_0, %arg1 : i32
    %mul3A_1 = arith.constant 31488 : i32
    %mul3A_2 = arith.muli %add3A, %mul3A_1 : i32
    %dma_start3A = arith.constant 0 : i32
    %dma_start3A_3 = tpu.memref_slice %arg6[%dma_start3A] : memref<31488xf32, #tpu.memory_space<vmem>> -> memref<15744xf32, #tpu.memory_space<vmem>>
    %dma_start3A_4 = tpu.memref_slice %arg2[%mul3A_2] : memref<1007616xf32, #tpu.memory_space<hbm>> -> memref<15744xf32, #tpu.memory_space<hbm>>
    %dma_start3A_5 = arith.constant 0 : i32
    %dma_start3A_6 = tpu.memref_slice %arg6[%dma_start3A_5] : memref<31488xf32, #tpu.memory_space<vmem>> -> memref<15744xf32, #tpu.memory_space<vmem>>
    %dma_start3A_7 = tpu.memref_slice %arg2[%mul3A_2] : memref<1007616xf32, #tpu.memory_space<hbm>> -> memref<15744xf32, #tpu.memory_space<hbm>>
    tpu.enqueue_dma source(%dma_start3A_7 : memref<15744xf32, #tpu.memory_space<hbm>>) target(%dma_start3A_6 : memref<15744xf32, #tpu.memory_space<vmem>>) target_semaphore(%arg9 : memref<!tpu.dma_semaphore, #tpu.memory_space<semaphore_mem>>)
    %add3A_8 = arith.constant 15744 : i32
    %add3A_9 = arith.addi %mul3A_2, %add3A_8 : i32
    %dma_start3A_10 = arith.constant 15744 : i32
    %dma_start3A_11 = tpu.memref_slice %arg6[%dma_start3A_10] : memref<31488xf32, #tpu.memory_space<vmem>> -> memref<15744xf32, #tpu.memory_space<vmem>>
    %dma_start3A_12 = tpu.memref_slice %arg2[%add3A_9] : memref<1007616xf32, #tpu.memory_space<hbm>> -> memref<15744xf32, #tpu.memory_space<hbm>>
    %dma_start3A_13 = arith.constant 15744 : i32
    %dma_start3A_14 = tpu.memref_slice %arg6[%dma_start3A_13] : memref<31488xf32, #tpu.memory_space<vmem>> -> memref<15744xf32, #tpu.memory_space<vmem>>
    %dma_start3A_15 = tpu.memref_slice %arg2[%add3A_9] : memref<1007616xf32, #tpu.memory_space<hbm>> -> memref<15744xf32, #tpu.memory_space<hbm>>
    tpu.enqueue_dma source(%dma_start3A_15 : memref<15744xf32, #tpu.memory_space<hbm>>) target(%dma_start3A_14 : memref<15744xf32, #tpu.memory_space<vmem>>) target_semaphore(%arg9 : memref<!tpu.dma_semaphore, #tpu.memory_space<semaphore_mem>>)
    %dma_start3A_16 = arith.constant 0 : i32
    %dma_start3A_17 = tpu.memref_slice %arg7[%dma_start3A_16] : memref<31488xf32, #tpu.memory_space<vmem>> -> memref<15744xf32, #tpu.memory_space<vmem>>
    %dma_start3A_18 = tpu.memref_slice %arg3[%mul3A_2] : memref<1007616xf32, #tpu.memory_space<hbm>> -> memref<15744xf32, #tpu.memory_space<hbm>>
    %dma_start3A_19 = arith.constant 0 : i32
    %dma_start3A_20 = tpu.memref_slice %arg7[%dma_start3A_19] : memref<31488xf32, #tpu.memory_space<vmem>> -> memref<15744xf32, #tpu.memory_space<vmem>>
    %dma_start3A_21 = tpu.memref_slice %arg3[%mul3A_2] : memref<1007616xf32, #tpu.memory_space<hbm>> -> memref<15744xf32, #tpu.memory_space<hbm>>
    tpu.enqueue_dma source(%dma_start3A_21 : memref<15744xf32, #tpu.memory_space<hbm>>) target(%dma_start3A_20 : memref<15744xf32, #tpu.memory_space<vmem>>) target_semaphore(%arg9 : memref<!tpu.dma_semaphore, #tpu.memory_space<semaphore_mem>>)
    %add3A_22 = arith.constant 15744 : i32
    %add3A_23 = arith.addi %mul3A_2, %add3A_22 : i32
    %dma_start3A_24 = arith.constant 15744 : i32
    %dma_start3A_25 = tpu.memref_slice %arg7[%dma_start3A_24] : memref<31488xf32, #tpu.memory_space<vmem>> -> memref<15744xf32, #tpu.memory_space<vmem>>
    %dma_start3A_26 = tpu.memref_slice %arg3[%add3A_23] : memref<1007616xf32, #tpu.memory_space<hbm>> -> memref<15744xf32, #tpu.memory_space<hbm>>
    %dma_start3A_27 = arith.constant 15744 : i32
    %dma_start3A_28 = tpu.memref_slice %arg7[%dma_start3A_27] : memref<31488xf32, #tpu.memory_space<vmem>> -> memref<15744xf32, #tpu.memory_space<vmem>>
    %dma_start3A_29 = tpu.memref_slice %arg3[%add3A_23] : memref<1007616xf32, #tpu.memory_space<hbm>> -> memref<15744xf32, #tpu.memory_space<hbm>>
    tpu.enqueue_dma source(%dma_start3A_29 : memref<15744xf32, #tpu.memory_space<hbm>>) target(%dma_start3A_28 : memref<15744xf32, #tpu.memory_space<vmem>>) target_semaphore(%arg9 : memref<!tpu.dma_semaphore, #tpu.memory_space<semaphore_mem>>)
    %dma_wait3A = arith.constant 0 : i32
    %dma_wait3A_30 = tpu.memref_slice %arg6[%dma_wait3A] : memref<31488xf32, #tpu.memory_space<vmem>> -> memref<15744xf32, #tpu.memory_space<vmem>>
    %dma_wait3A_31 = arith.constant 0 : i32
    %dma_wait3A_32 = tpu.memref_slice %arg2[%dma_wait3A_31] : memref<1007616xf32, #tpu.memory_space<hbm>> -> memref<15744xf32, #tpu.memory_space<hbm>>
    %dma_wait3A_33 = arith.constant 0 : i32
    %dma_wait3A_34 = tpu.memref_slice %arg6[%dma_wait3A_33] : memref<31488xf32, #tpu.memory_space<vmem>> -> memref<15744xf32, #tpu.memory_space<vmem>>
    %dma_wait3A_35 = arith.constant 0 : i32
    %dma_wait3A_36 = tpu.memref_slice %arg2[%dma_wait3A_35] : memref<1007616xf32, #tpu.memory_space<hbm>> -> memref<15744xf32, #tpu.memory_space<hbm>>
    tpu.wait_dma2 semaphore(%arg9 : memref<!tpu.dma_semaphore, #tpu.memory_space<semaphore_mem>>) src(%dma_wait3A_36 : memref<15744xf32, #tpu.memory_space<hbm>>) dst(%dma_wait3A_34 : memref<15744xf32, #tpu.memory_space<vmem>>)
    %dma_wait3A_37 = arith.constant 0 : i32
    %dma_wait3A_38 = tpu.memref_slice %arg6[%dma_wait3A_37] : memref<31488xf32, #tpu.memory_space<vmem>> -> memref<15744xf32, #tpu.memory_space<vmem>>
    %dma_wait3A_39 = arith.constant 0 : i32
    %dma_wait3A_40 = tpu.memref_slice %arg2[%dma_wait3A_39] : memref<1007616xf32, #tpu.memory_space<hbm>> -> memref<15744xf32, #tpu.memory_space<hbm>>
    %dma_wait3A_41 = arith.constant 0 : i32
    %dma_wait3A_42 = tpu.memref_slice %arg6[%dma_wait3A_41] : memref<31488xf32, #tpu.memory_space<vmem>> -> memref<15744xf32, #tpu.memory_space<vmem>>
    %dma_wait3A_43 = arith.constant 0 : i32
    %dma_wait3A_44 = tpu.memref_slice %arg2[%dma_wait3A_43] : memref<1007616xf32, #tpu.memory_space<hbm>> -> memref<15744xf32, #tpu.memory_space<hbm>>
    tpu.wait_dma2 semaphore(%arg9 : memref<!tpu.dma_semaphore, #tpu.memory_space<semaphore_mem>>) src(%dma_wait3A_44 : memref<15744xf32, #tpu.memory_space<hbm>>) dst(%dma_wait3A_42 : memref<15744xf32, #tpu.memory_space<vmem>>)
    %dma_wait3A_45 = arith.constant 0 : i32
    %dma_wait3A_46 = tpu.memref_slice %arg6[%dma_wait3A_45] : memref<31488xf32, #tpu.memory_space<vmem>> -> memref<15744xf32, #tpu.memory_space<vmem>>
    %dma_wait3A_47 = arith.constant 0 : i32
    %dma_wait3A_48 = tpu.memref_slice %arg2[%dma_wait3A_47] : memref<1007616xf32, #tpu.memory_space<hbm>> -> memref<15744xf32, #tpu.memory_space<hbm>>
    %dma_wait3A_49 = arith.constant 0 : i32
    %dma_wait3A_50 = tpu.memref_slice %arg6[%dma_wait3A_49] : memref<31488xf32, #tpu.memory_space<vmem>> -> memref<15744xf32, #tpu.memory_space<vmem>>
    %dma_wait3A_51 = arith.constant 0 : i32
    %dma_wait3A_52 = tpu.memref_slice %arg2[%dma_wait3A_51] : memref<1007616xf32, #tpu.memory_space<hbm>> -> memref<15744xf32, #tpu.memory_space<hbm>>
    tpu.wait_dma2 semaphore(%arg9 : memref<!tpu.dma_semaphore, #tpu.memory_space<semaphore_mem>>) src(%dma_wait3A_52 : memref<15744xf32, #tpu.memory_space<hbm>>) dst(%dma_wait3A_50 : memref<15744xf32, #tpu.memory_space<vmem>>)
    %dma_wait3A_53 = arith.constant 0 : i32
    %dma_wait3A_54 = tpu.memref_slice %arg6[%dma_wait3A_53] : memref<31488xf32, #tpu.memory_space<vmem>> -> memref<15744xf32, #tpu.memory_space<vmem>>
    %dma_wait3A_55 = arith.constant 0 : i32
    %dma_wait3A_56 = tpu.memref_slice %arg2[%dma_wait3A_55] : memref<1007616xf32, #tpu.memory_space<hbm>> -> memref<15744xf32, #tpu.memory_space<hbm>>
    %dma_wait3A_57 = arith.constant 0 : i32
    %dma_wait3A_58 = tpu.memref_slice %arg6[%dma_wait3A_57] : memref<31488xf32, #tpu.memory_space<vmem>> -> memref<15744xf32, #tpu.memory_space<vmem>>
    %dma_wait3A_59 = arith.constant 0 : i32
    %dma_wait3A_60 = tpu.memref_slice %arg2[%dma_wait3A_59] : memref<1007616xf32, #tpu.memory_space<hbm>> -> memref<15744xf32, #tpu.memory_space<hbm>>
    tpu.wait_dma2 semaphore(%arg9 : memref<!tpu.dma_semaphore, #tpu.memory_space<semaphore_mem>>) src(%dma_wait3A_60 : memref<15744xf32, #tpu.memory_space<hbm>>) dst(%dma_wait3A_58 : memref<15744xf32, #tpu.memory_space<vmem>>)
    %broadcast_in_dim3A = arith.constant 0x7F800000 : f32
    %broadcast_in_dim3A_61 = vector.broadcast %broadcast_in_dim3A : f32 to vector<16xf32>
    %broadcast_in_dim3A_62 = arith.constant 0.000000e+00 : f32
    %broadcast_in_dim3A_63 = vector.broadcast %broadcast_in_dim3A_62 : f32 to vector<16xf32>
    %scan3A = arith.constant 0x7F800000 : f32
    %scan3A_64 = arith.constant 0 : i32
    %scan3A_65 = arith.constant 1968 : i32
    %scan3A_66 = arith.addi %scan3A_64, %scan3A_65 : i32
    %scan3A_67 = arith.constant 1 : i32
    %scan3A_68:3 = scf.for %scan3A_77 = %scan3A_64 to %scan3A_66 step %scan3A_67 iter_args(%scan3A_78 = %broadcast_in_dim3A_61, %scan3A_79 = %broadcast_in_dim3A_63, %scan3A_80 = %scan3A) -> (vector<16xf32>, vector<16xf32>, f32)  : i32 {
      %mul3A_81 = arith.constant 16 : i32
      %mul3A_82 = arith.muli %scan3A_77, %mul3A_81 : i32
      %get3A = arith.index_cast %mul3A_82 : i32 to index
      %get3A_83 = tpu.vector_load %arg6[%get3A] {strides = array<i32>} : memref<31488xf32, #tpu.memory_space<vmem>>, vector<16xf32>,
      %lt3A = vector.broadcast %scan3A_80 : f32 to vector<16xf32>
      %lt3A_84 = arith.cmpf olt, %get3A_83, %lt3A : vector<16xf32>
      %reduce_or3A = arith.constant 1.000000e+00 : f32
      %reduce_or3A_85 = arith.constant 0.000000e+00 : f32
      %reduce_or3A_86 = vector.broadcast %reduce_or3A : f32 to vector<16xf32>
      %reduce_or3A_87 = vector.broadcast %reduce_or3A_85 : f32 to vector<16xf32>
      %reduce_or3A_88 = arith.select %lt3A_84, %reduce_or3A_86, %reduce_or3A_87 : vector<16xi1>, vector<16xf32>
      %reduce_or3A_89 = arith.constant true
      %reduce_or3A_90 = vector.broadcast %reduce_or3A_89 : i1 to vector<16xi1>
      %reduce_or3A_91 = tpu.scan <max>, %reduce_or3A_88 masked %reduce_or3A_90 : vector<16xf32>, vector<16xi1> -> vector<16xf32>
      %reduce_or3A_92 = vector.extract %reduce_or3A_91[15] : f32 from vector<16xf32>
      %reduce_or3A_93 = arith.constant 0.000000e+00 : f32
      %reduce_or3A_94 = arith.cmpf ogt, %reduce_or3A_92, %reduce_or3A_93 : f32
      %convert_element_type3A = arith.extui %reduce_or3A_94 : i1 to i32
      %cond3A = arith.constant 0 : i32
      %cond3A_95 = arith.cmpi ne, %convert_element_type3A, %cond3A : i32
      %cond3A_96:3 = scf.if %cond3A_95 -> (vector<16xf32>, vector<16xf32>, f32) {
        %mul3A_97 = arith.constant 16 : i32
        %mul3A_98 = arith.muli %scan3A_77, %mul3A_97 : i32
        %get3A_99 = arith.index_cast %mul3A_98 : i32 to index
        %get3A_100 = tpu.vector_load %arg7[%get3A_99] {strides = array<i32>} : memref<31488xf32, #tpu.memory_space<vmem>>, vector<16xf32>,
        %masked_sort3A = arith.constant dense<true> : vector<16xi1>
        %masked_sort3A_101, %masked_sort3A_102, %masked_sort3A_103 = tpu.sort %get3A_83, %get3A_100 masked %masked_sort3A {descending = true} : (vector<16xf32>, vector<16xf32>, vector<16xi1>) -> (vector<16xi1>, vector<16xf32>, vector<16xf32>)
        %le3A = arith.cmpf ole, %scan3A_78, %masked_sort3A_102 : vector<16xf32>
        %select_n3A = arith.select %le3A, %scan3A_78, %masked_sort3A_102 : vector<16xi1>, vector<16xf32>
        %select_n3A_104 = arith.select %le3A, %scan3A_79, %masked_sort3A_103 : vector<16xi1>, vector<16xf32>
        %masked_sort3A_105 = arith.constant dense<true> : vector<16xi1>
        %masked_sort3A_106, %masked_sort3A_107, %masked_sort3A_108 = tpu.sort %select_n3A, %select_n3A_104 masked %masked_sort3A_105 : (vector<16xf32>, vector<16xf32>, vector<16xi1>) -> (vector<16xi1>, vector<16xf32>, vector<16xf32>)
        %reduce_max3A = arith.constant true
        %reduce_max3A_109 = vector.broadcast %reduce_max3A : i1 to vector<16xi1>
        %reduce_max3A_110 = tpu.scan <max>, %masked_sort3A_107 masked %reduce_max3A_109 : vector<16xf32>, vector<16xi1> -> vector<16xf32>
        %reduce_max3A_111 = vector.extract %reduce_max3A_110[15] : f32 from vector<16xf32>
        scf.yield %masked_sort3A_107, %masked_sort3A_108, %reduce_max3A_111 : vector<16xf32>, vector<16xf32>, f32
      } else {
        scf.yield %scan3A_78, %scan3A_79, %scan3A_80 : vector<16xf32>, vector<16xf32>, f32
      }
      scf.yield %cond3A_96#0, %cond3A_96#1, %cond3A_96#2 : vector<16xf32>, vector<16xf32>, f32
    }
    %scan3A_69 = arith.constant 1968 : i32
    %swap3A = arith.constant 0 : index
    %swap3A_70 = tpu.vector_load %arg8[%swap3A] {strides = array<i32>} : memref<32xf32, #tpu.memory_space<vmem>>, vector<16xf32>,
    tpu.vector_store %arg8[%swap3A], %scan3A_68#0 {strides = array<i32>} : memref<32xf32, #tpu.memory_space<vmem>>, vector<16xf32>,
    %swap3A_71 = arith.constant 16 : index
    %swap3A_72 = tpu.vector_load %arg8[%swap3A_71] {strides = array<i32>} : memref<32xf32, #tpu.memory_space<vmem>>, vector<16xf32>,
    tpu.vector_store %arg8[%swap3A_71], %scan3A_68#1 {strides = array<i32>} : memref<32xf32, #tpu.memory_space<vmem>>, vector<16xf32>,
    %mul3A_73 = arith.constant 16 : i32
    %mul3A_74 = arith.muli %add3A, %mul3A_73 : i32
    "tpu.region"() ({
      %run_scoped3A = tpu.sem_alloc : memref<!tpu.dma_semaphore, #tpu.memory_space<semaphore_mem>>
      %dma_start3A_77 = arith.constant 0 : i32
      %dma_start3A_78 = tpu.memref_slice %arg8[%dma_start3A_77] : memref<32xf32, #tpu.memory_space<vmem>> -> memref<16xf32, #tpu.memory_space<vmem>>
      %dma_start3A_79 = tpu.memref_slice %arg4[%mul3A_74] : memref<512xf32, #tpu.memory_space<hbm>> -> memref<16xf32, #tpu.memory_space<hbm>>
      %dma_start3A_80 = tpu.memref_slice %arg4[%mul3A_74] : memref<512xf32, #tpu.memory_space<hbm>> -> memref<16xf32, #tpu.memory_space<hbm>>
      %dma_start3A_81 = arith.constant 0 : i32
      %dma_start3A_82 = tpu.memref_slice %arg8[%dma_start3A_81] : memref<32xf32, #tpu.memory_space<vmem>> -> memref<16xf32, #tpu.memory_space<vmem>>
      tpu.enqueue_dma source(%dma_start3A_82 : memref<16xf32, #tpu.memory_space<vmem>>) target(%dma_start3A_80 : memref<16xf32, #tpu.memory_space<hbm>>) target_semaphore(%run_scoped3A : memref<!tpu.dma_semaphore, #tpu.memory_space<semaphore_mem>>)
      %dma_wait3A_83 = arith.constant 0 : i32
      %dma_wait3A_84 = tpu.memref_slice %arg8[%dma_wait3A_83] : memref<32xf32, #tpu.memory_space<vmem>> -> memref<16xf32, #tpu.memory_space<vmem>>
      %dma_wait3A_85 = tpu.memref_slice %arg4[%mul3A_74] : memref<512xf32, #tpu.memory_space<hbm>> -> memref<16xf32, #tpu.memory_space<hbm>>
      %dma_wait3A_86 = tpu.memref_slice %arg4[%mul3A_74] : memref<512xf32, #tpu.memory_space<hbm>> -> memref<16xf32, #tpu.memory_space<hbm>>
      %dma_wait3A_87 = arith.constant 0 : i32
      %dma_wait3A_88 = tpu.memref_slice %arg8[%dma_wait3A_87] : memref<32xf32, #tpu.memory_space<vmem>> -> memref<16xf32, #tpu.memory_space<vmem>>
      tpu.wait_dma2 semaphore(%run_scoped3A : memref<!tpu.dma_semaphore, #tpu.memory_space<semaphore_mem>>) src(%dma_wait3A_88 : memref<16xf32, #tpu.memory_space<vmem>>) dst(%dma_wait3A_86 : memref<16xf32, #tpu.memory_space<hbm>>)
      tpu.yield
    }) : () -> ()
    %mul3A_75 = arith.constant 16 : i32
    %mul3A_76 = arith.muli %add3A, %mul3A_75 : i32
    "tpu.region"() ({
      %run_scoped3A = tpu.sem_alloc : memref<!tpu.dma_semaphore, #tpu.memory_space<semaphore_mem>>
      %dma_start3A_77 = arith.constant 16 : i32
      %dma_start3A_78 = tpu.memref_slice %arg8[%dma_start3A_77] : memref<32xf32, #tpu.memory_space<vmem>> -> memref<16xf32, #tpu.memory_space<vmem>>
      %dma_start3A_79 = tpu.memref_slice %arg5[%mul3A_76] : memref<512xf32, #tpu.memory_space<hbm>> -> memref<16xf32, #tpu.memory_space<hbm>>
      %dma_start3A_80 = tpu.memref_slice %arg5[%mul3A_76] : memref<512xf32, #tpu.memory_space<hbm>> -> memref<16xf32, #tpu.memory_space<hbm>>
      %dma_start3A_81 = arith.constant 16 : i32
      %dma_start3A_82 = tpu.memref_slice %arg8[%dma_start3A_81] : memref<32xf32, #tpu.memory_space<vmem>> -> memref<16xf32, #tpu.memory_space<vmem>>
      tpu.enqueue_dma source(%dma_start3A_82 : memref<16xf32, #tpu.memory_space<vmem>>) target(%dma_start3A_80 : memref<16xf32, #tpu.memory_space<hbm>>) target_semaphore(%run_scoped3A : memref<!tpu.dma_semaphore, #tpu.memory_space<semaphore_mem>>)
      %dma_wait3A_83 = arith.constant 16 : i32
      %dma_wait3A_84 = tpu.memref_slice %arg8[%dma_wait3A_83] : memref<32xf32, #tpu.memory_space<vmem>> -> memref<16xf32, #tpu.memory_space<vmem>>
      %dma_wait3A_85 = tpu.memref_slice %arg5[%mul3A_76] : memref<512xf32, #tpu.memory_space<hbm>> -> memref<16xf32, #tpu.memory_space<hbm>>
      %dma_wait3A_86 = tpu.memref_slice %arg5[%mul3A_76] : memref<512xf32, #tpu.memory_space<hbm>> -> memref<16xf32, #tpu.memory_space<hbm>>
      %dma_wait3A_87 = arith.constant 16 : i32
      %dma_wait3A_88 = tpu.memref_slice %arg8[%dma_wait3A_87] : memref<32xf32, #tpu.memory_space<vmem>> -> memref<16xf32, #tpu.memory_space<vmem>>
      tpu.wait_dma2 semaphore(%run_scoped3A : memref<!tpu.dma_semaphore, #tpu.memory_space<semaphore_mem>>) src(%dma_wait3A_88 : memref<16xf32, #tpu.memory_space<vmem>>) dst(%dma_wait3A_86 : memref<16xf32, #tpu.memory_space<hbm>>)
      tpu.yield
    }) : () -> ()
    return
  }
}

module attributes {stable_mosaic.version = 14 : i64} {
  func.func @_merge_tc_body(%arg0: memref<4x128xf32, #tpu.memory_space<vmem>>, %arg1: memref<4x128xf32, #tpu.memory_space<vmem>>, %arg2: memref<1x1xf32, #tpu.memory_space<smem>>) attributes {dimension_semantics = [], scalar_prefetch = 0 : i64, scratch_operands = 0 : i64, tpu.core_type = #tpu.core_type<tc>} {
    %get3A = arith.constant 0 : index
    %get3A_0 = arith.constant 0 : index
    %get3A_1 = vector.load %arg0[%get3A, %get3A_0] : memref<4x128xf32, #tpu.memory_space<vmem>>, vector<4x128xf32>
    %get3A_2 = arith.constant 0 : index
    %get3A_3 = arith.constant 0 : index
    %get3A_4 = vector.load %arg1[%get3A_2, %get3A_3] : memref<4x128xf32, #tpu.memory_space<vmem>>, vector<4x128xf32>
    %iota3A = tpu.iota {dimensions = array<i32: 0>} : vector<4x128xi32>
    %mul3A = arith.constant 128 : i32
    %mul3A_5 = vector.broadcast %mul3A : i32 to vector<4x128xi32>
    %mul3A_6 = arith.muli %iota3A, %mul3A_5 : vector<4x128xi32>
    %iota3A_7 = tpu.iota {dimensions = array<i32: 1>} : vector<4x128xi32>
    %add3A = arith.addi %mul3A_6, %iota3A_7 : vector<4x128xi32>
    %scan3A = arith.constant 0.000000e+00 : f32
    %scan3A_8 = arith.constant 0 : i32
    %scan3A_9 = arith.constant 16 : i32
    %scan3A_10 = arith.addi %scan3A_8, %scan3A_9 : i32
    %scan3A_11 = arith.constant 1 : i32
    %scan3A_12:2 = scf.for %scan3A_17 = %scan3A_8 to %scan3A_10 step %scan3A_11 iter_args(%scan3A_18 = %scan3A, %scan3A_19 = %get3A_1) -> (f32, vector<4x128xf32>)  : i32 {
      %reduce_min3A = vector.shape_cast %scan3A_19 : vector<4x128xf32> to vector<1x4x128xf32>
      %reduce_min3A_20 = arith.constant dense<0x7F800000> : vector<1xf32>
      %reduce_min3A_21 = vector.multi_reduction <minimumf>, %reduce_min3A, %reduce_min3A_20 [1, 2] : vector<1x4x128xf32> to vector<1xf32>
      %reduce_min3A_22 = vector.shape_cast %reduce_min3A_21 : vector<1xf32> to vector<1x1x1xf32>
      %reduce_min3A_23 = vector.extract %reduce_min3A_22[0, 0, 0] : f32 from vector<1x1x1xf32>
      %eq3A = vector.broadcast %reduce_min3A_23 : f32 to vector<4x128xf32>
      %eq3A_24 = arith.cmpf oeq, %scan3A_19, %eq3A : vector<4x128xf32>
      %jit3A = arith.constant 1073741824 : i32
      %broadcast_in_dim3A = vector.broadcast %jit3A : i32 to vector<4x128xi32>
      %select_n3A = arith.select %eq3A_24, %add3A, %broadcast_in_dim3A : vector<4x128xi1>, vector<4x128xi32>
      %reduce_min3A_25 = vector.shape_cast %select_n3A : vector<4x128xi32> to vector<1x4x128xi32>
      %reduce_min3A_26 = arith.constant dense<2147483647> : vector<1xi32>
      %reduce_min3A_27 = vector.multi_reduction <minsi>, %reduce_min3A_25, %reduce_min3A_26 [1, 2] : vector<1x4x128xi32> to vector<1xi32>
      %reduce_min3A_28 = vector.shape_cast %reduce_min3A_27 : vector<1xi32> to vector<1x1x1xi32>
      %reduce_min3A_29 = vector.extract %reduce_min3A_28[0, 0, 0] : i32 from vector<1x1x1xi32>
      %eq3A_30 = vector.broadcast %reduce_min3A_29 : i32 to vector<4x128xi32>
      %eq3A_31 = arith.cmpi eq, %add3A, %eq3A_30 : vector<4x128xi32>
      %jit3A_32 = arith.constant 0.000000e+00 : f32
      %broadcast_in_dim3A_33 = vector.broadcast %jit3A_32 : f32 to vector<4x128xf32>
      %select_n3A_34 = arith.select %eq3A_31, %get3A_4, %broadcast_in_dim3A_33 : vector<4x128xi1>, vector<4x128xf32>
      %reduce_sum3A = vector.shape_cast %select_n3A_34 : vector<4x128xf32> to vector<1x4x128xf32>
      %reduce_sum3A_35 = arith.constant dense<0.000000e+00> : vector<1xf32>
      %reduce_sum3A_36 = vector.multi_reduction <add>, %reduce_sum3A, %reduce_sum3A_35 [1, 2] : vector<1x4x128xf32> to vector<1xf32>
      %reduce_sum3A_37 = vector.shape_cast %reduce_sum3A_36 : vector<1xf32> to vector<1x1x1xf32>
      %reduce_sum3A_38 = vector.extract %reduce_sum3A_37[0, 0, 0] : f32 from vector<1x1x1xf32>
      %add3A_39 = arith.addf %scan3A_18, %reduce_sum3A_38 : f32
      %jit3A_40 = arith.constant 0x7F800000 : f32
      %broadcast_in_dim3A_41 = vector.broadcast %jit3A_40 : f32 to vector<4x128xf32>
      %select_n3A_42 = arith.select %eq3A_31, %broadcast_in_dim3A_41, %scan3A_19 : vector<4x128xi1>, vector<4x128xf32>
      scf.yield %add3A_39, %select_n3A_42 : f32, vector<4x128xf32>
    }
    %mul3A_13 = arith.constant 6.250000e-02 : f32
    %mul3A_14 = arith.mulf %scan3A_12#0, %mul3A_13 : f32
    %swap3A = arith.constant 0 : index
    %swap3A_15 = arith.constant 0 : index
    %swap3A_16 = memref.load %arg2[%swap3A, %swap3A_15] : memref<1x1xf32, #tpu.memory_space<smem>>
    memref.store %mul3A_14, %arg2[%swap3A, %swap3A_15] : memref<1x1xf32, #tpu.memory_space<smem>>
    return
  }
}

module attributes {stable_mosaic.version = 14 : i64} {
  func.func @_dist_body(%arg0: i32, %arg1: memref<1x128xf32, #tpu.memory_space<vmem>>, %arg2: memref<128x32xf32, #tpu.memory_space<vmem>>, %arg3: memref<8192x32xf32, #tpu.memory_space<vmem>>, %arg4: memref<8192xf32, #tpu.memory_space<vmem>>) attributes {dimension_semantics = [#tpu.dimension_semantics<arbitrary>], iteration_bounds = array<i64: 123>, scalar_prefetch = 0 : i64, scratch_operands = 0 : i64, tpu.core_type = #tpu.core_type<tc>, window_params = [{pipeline_mode = #tpu.pipeline_mode<synchronous>, transform_indices = @transform_0, window_bounds = array<i64: 1, 128>}, {pipeline_mode = #tpu.pipeline_mode<synchronous>, transform_indices = @transform_1, window_bounds = array<i64: 128, 32>}, {transform_indices = @transform_2, window_bounds = array<i64: 8192, 32>}, {transform_indices = @transform_3, window_bounds = array<i64: 8192>}]} {
    %get3A = arith.constant 0 : index
    %get3A_0 = arith.constant 0 : index
    %get3A_1 = vector.load %arg1[%get3A, %get3A_0] : memref<1x128xf32, #tpu.memory_space<vmem>>, vector<1x128xf32>
    %get3A_2 = arith.constant 0 : index
    %get3A_3 = arith.constant 0 : index
    %get3A_4 = vector.load %arg2[%get3A_2, %get3A_3] : memref<128x32xf32, #tpu.memory_space<vmem>>, vector<128x32xf32>
    %dot_general3A = arith.constant dense<0.000000e+00> : vector<1x32xf32>
    %dot_general3A_5 = tpu.matmul %get3A_1, %get3A_4, %dot_general3A {dimension_numbers = #tpu.dot_dimension_numbers<[1], [0], [0], [1], [0, 0, 1, 1], [], []>, transpose_lhs_hint = false} : vector<1x128xf32>, vector<128x32xf32>, vector<1x32xf32> -> vector<1x32xf32>
    %get3A_6 = arith.constant 0 : index
    %get3A_7 = arith.constant 0 : index
    %get3A_8 = vector.load %arg3[%get3A_6, %get3A_7] : memref<8192x32xf32, #tpu.memory_space<vmem>>, vector<8192x32xf32>
    %sub3A = vector.broadcast %dot_general3A_5 : vector<1x32xf32> to vector<8192x32xf32>
    %sub3A_9 = arith.subf %get3A_8, %sub3A : vector<8192x32xf32>
    %abs3A = math.absf %sub3A_9 : vector<8192x32xf32>
    %reduce_sum3A = arith.constant dense<0.000000e+00> : vector<8192xf32>
    %reduce_sum3A_10 = vector.multi_reduction <add>, %abs3A, %reduce_sum3A [1] : vector<8192x32xf32> to vector<8192xf32>
    %mul3A = arith.constant 8192 : i32
    %mul3A_11 = arith.muli %arg0, %mul3A : i32
    %iota3A = tpu.iota {dimensions = array<i32: 1>} : vector<1x8192xi32>
    %iota3A_12 = vector.shape_cast %iota3A : vector<1x8192xi32> to vector<8192xi32>
    %add3A = vector.broadcast %mul3A_11 : i32 to vector<8192xi32>
    %add3A_13 = arith.addi %add3A, %iota3A_12 : vector<8192xi32>
    %lt3A = arith.constant 1000000 : i32
    %lt3A_14 = vector.broadcast %lt3A : i32 to vector<8192xi32>
    %lt3A_15 = arith.cmpi slt, %add3A_13, %lt3A_14 : vector<8192xi32>
    %jit3A = arith.constant 0x7F800000 : f32
    %broadcast_in_dim3A = vector.broadcast %jit3A : f32 to vector<8192xf32>
    %select_n3A = arith.select %lt3A_15, %reduce_sum3A_10, %broadcast_in_dim3A : vector<8192xi1>, vector<8192xf32>
    %swap3A = arith.constant 0 : index
    %swap3A_16 = vector.load %arg4[%swap3A] : memref<8192xf32, #tpu.memory_space<vmem>>, vector<8192xf32>
    tpu.vector_store %arg4[%swap3A], %select_n3A {strides = array<i32>} : memref<8192xf32, #tpu.memory_space<vmem>>, vector<8192xf32>,
    return
  }
  func.func @transform_0(%arg0: i32) -> (i32, i32) {
    %c0_i32 = arith.constant 0 : i32
    %c0_i32_0 = arith.constant 0 : i32
    %c0_i32_1 = arith.constant 0 : i32
    return %c0_i32, %c0_i32_0 : i32, i32
  }
  func.func @transform_1(%arg0: i32) -> (i32, i32) {
    %c0_i32 = arith.constant 0 : i32
    %c0_i32_0 = arith.constant 0 : i32
    %c0_i32_1 = arith.constant 0 : i32
    return %c0_i32, %c0_i32_0 : i32, i32
  }
  func.func @transform_2(%arg0: i32) -> (i32, i32) {
    %c0_i32 = arith.constant 0 : i32
    %c0_i32_0 = arith.constant 0 : i32
    return %arg0, %c0_i32 : i32, i32
  }
  func.func @transform_3(%arg0: i32) -> i32 {
    %c0_i32 = arith.constant 0 : i32
    return %arg0 : i32
  }
}

</mosaic_0001>

<sc_bundles>
// kernel: kernel.5.cloned.1.call-start
scs
__scs_entry_jumppad:
0x0: {  	(pc) =	sbr.rel $0x88, $3  }
0x1: {  	(tag) =	ssettag $0x0;
	lr =	simm.s32 $0x1  }
0x2: {  	[smem:$0x3F9D] =	sst lr;
	_ =	strace $0xD0000000  }
0x3: {  	_ = 	snop  }
0x4: {  	_ = 	snop  }
0x5: {  	_ = 	snop  }
0x6: {  	_ = 	snop  }
0x7: {  	_ = 	snop  }
__scs_overlays_trampoline_lowered:
0x8: {  	[smem:$0x3FAC] =	sst s0  }
0x9: {  	[smem:$0x3FAD] =	sst s1  }
0xa: {  	[smem:$0x3FAE] =	sst s2  }
0xb: {  	[smem:$0x3FAF] =	sst s3  }
0xc: {  	[smem:$0x3FB0] =	sst s4  }
0xd: {  	[smem:$0x3FB1] =	sst s5  }
0xe: {  	[smem:$0x3FB2] =	sst s6  }
0xf: {  	[smem:$0x3FB3] =	sst s7  }
0x10: {  	[smem:$0x3FB4] =	sst s8  }
0x11: {  	[smem:$0x3FB5] =	sst s9;
	s0 =	simm.s32 @!p0 $0x0  }
0x12: {  	s1 =	sld [smem:$0x3F9B];
	s0 =	simm.s32 @p0 $0x1  }
0x13: {  	[smem:$0x3FB6] =	sst s0;
	s0 =	simm.s32 @!p1 $0x0  }
0x14: {  	s2 =	sld [smem:$0x3F9A];
	s0 =	simm.s32 @p1 $0x1  }
0x15: {  	[smem:$0x3FB7] =	sst s0;
	s0 =	simm.s32 @!p2 $0x0  }
0x16: {  	s3 =	sld [smem:$0x3FDB];
	s0 =	simm.s32 @p2 $0x1  }
0x17: {  	s4 =	simm.s32 $0x1BF5;
	[smem:$0x3FB9] =	sst s0  }
0x18: {  	s0 =	sld [smem:$0x3F9C];
	_ =	swait.ge [sflag:s4], $0x0  }
0x19: {  	s7 =	sld [smem:$0x3F9D]  }
0x1a: {  	s8 =	sadd.s32 $0xFFFFE003, lr  }
0x1b: {  	s9 =	sadd.s32 $0xFFFFFEF7, lr;
	s5 =	simm.s32 $0xFFFFFFFF;
	p2 =	slt.u32 s8, $0xFFFFF086  }
0x1c: {  	p1 =	slt.u32 s9, $0xF7A;
	s5 =	simm.s32 @!p2 $0x0  }
0x1d: {  	s5 =	simm.s32 @p1 $0x1;
	p0 =	seq.s32 s7, s2  }
0x1e: {  	s7 =	smul.u32 @!p0 $0xF7A, s2;
	p2 =	seq.s32 @!p0 s5, $0x0  }
0x1f: {  	s9 =	smul.u32 $0xF7A, s1;
	s8 =	simm.s32 @!p0 $0x1BF5;
	p2 =	por !p2, p0  }
0x20: {  	[sflag:s8] =	ssyncset.s32 @!p0 $0xFFFFF086;
	s6 =	sadd.s32 @!p0 s3, s7;
	s7 =	simm.s32 @!p0 $0x108  }
0x21: {  	s3 =	sadd.s32 s3, s9;
	s6 =	sadd.s32 @!p0 $0x88, s6;
	s7 =	simm.s32 @p2 $0x1082  }
0x22: {  	[simem:s7], [sflag:s8] =	dma.local @!p0 [hbm:s6], $0xF7A  }
0x23: {  	s9 =	sor.u32 $0xD0000000, s2;
	s6 =	simm.s32 $0x108;
	_ =	swait.ge @!p0 [sflag:s8], $0x0  }
0x24: {  	s3 =	sadd.s32 $0x88, s3;
	s6 =	simm.s32 @!p1 $0x1082;
	[sflag:s4] =	ssyncset.s32 $0xFFFFF086  }
0x25: {  	[simem:s6], [sflag:s4] =	dma.local [hbm:s3], $0xF7A  }
0x26: {  	[smem:$0x3F9D] =	sst s1;
	(tag) =	ssettag s2;
	_ =	strace s9  }
0x27: {  	s1 =	sld [smem:$0x3FAD]  }
0x28: {  	s2 =	sld [smem:$0x3FAE]  }
0x29: {  	s4 =	sld [smem:$0x3FB0]  }
0x2a: {  	p0 =	seq.s32 s5, $0x0;
	s5 =	sld [smem:$0x3FB1]  }
0x2b: {  	s6 =	sld [smem:$0x3FB2]  }
0x2c: {  	s7 =	sld [smem:$0x3FB3]  }
0x2d: {  	s3 =	simm.s32 $0x108;
	s8 =	sld [smem:$0x3FB4]  }
0x2e: {  	s3 =	simm.s32 @!p0 $0x1082;
	s9 =	sld [smem:$0x3FB5]  }
0x2f: {  	lr =	sadd.s32 s0, s3;
	s0 =	sld [smem:$0x3FAC]  }
0x30: {  	s3 =	sld [smem:$0x3FAF]  }
0x31: {  	[smem:$0x3FB8] =	sst s10  }
0x32: {  	s10 =	sld [smem:$0x3FB6];
	_ =	sdelay $0x3  }
0x33: {  	p0 =	seq.s32 s10, $0x1;
	s10 =	sld [smem:$0x3FB8];
	_ =	sdelay $0x3  }
0x34: {  	[smem:$0x3FB8] =	sst s10  }
0x35: {  	s10 =	sld [smem:$0x3FB7];
	_ =	sdelay $0x3  }
0x36: {  	p1 =	seq.s32 s10, $0x1;
	s10 =	sld [smem:$0x3FB8];
	_ =	sdelay $0x3  }
0x37: {  	[smem:$0x3FB8] =	sst s10  }
0x38: {  	s10 =	sld [smem:$0x3FB9]  }
0x39: {  	_ = 	snop;
	(pc) =	sbr.ind lr, $3  }
0x3a: {  	_ = 	snop  }
0x3b: {  	_ = 	snop  }
0x3c: {  	p2 =	seq.s32 s10, $0x1;
	s10 =	sld [smem:$0x3FB8]  }
0x3d: {  	_ =	shalt  }
0x3e: {  	_ =	shalt  }
0x3f: {  	_ =	shalt  }
0x40: {  	_ =	shalt  }
0x41: {  	_ =	shalt  }
0x42: {  	_ =	shalt  }
0x43: {  	_ =	shalt  }
0x44: {  	_ =	shalt  }
0x45: {  	_ =	shalt  }
0x46: {  	_ =	shalt  }
0x47: {  	_ =	shalt  }
0x48: {  	_ =	shalt  }
0x49: {  	_ =	shalt  }
0x4a: {  	_ =	shalt  }
0x4b: {  	_ =	shalt  }
0x4c: {  	_ =	shalt  }
0x4d: {  	_ =	shalt  }
0x4e: {  	_ =	shalt  }
0x4f: {  	_ =	shalt  }
0x50: {  	_ =	shalt  }
0x51: {  	_ =	shalt  }
0x52: {  	_ =	shalt  }
0x53: {  	_ =	shalt  }
0x54: {  	_ =	shalt  }
0x55: {  	_ =	shalt  }
0x56: {  	_ =	shalt  }
0x57: {  	_ =	shalt  }
0x58: {  	_ =	shalt  }
0x59: {  	_ =	shalt  }
0x5a: {  	_ =	shalt  }
0x5b: {  	_ =	shalt  }
0x5c: {  	_ =	shalt  }
0x5d: {  	_ =	shalt  }
0x5e: {  	_ =	shalt  }
0x5f: {  	_ =	shalt  }
0x60: {  	_ =	shalt  }
0x61: {  	_ =	shalt  }
0x62: {  	_ =	shalt  }
0x63: {  	_ =	shalt  }
0x64: {  	_ =	shalt  }
0x65: {  	_ =	shalt  }
0x66: {  	_ =	shalt  }
0x67: {  	_ =	shalt  }
0x68: {  	_ =	shalt  }
0x69: {  	_ =	shalt  }
0x6a: {  	_ =	shalt  }
0x6b: {  	_ =	shalt  }
0x6c: {  	_ =	shalt  }
0x6d: {  	_ =	shalt  }
0x6e: {  	_ =	shalt  }
0x6f: {  	_ =	shalt  }
0x70: {  	_ =	shalt  }
0x71: {  	_ =	shalt  }
0x72: {  	_ =	shalt  }
0x73: {  	_ =	shalt  }
0x74: {  	_ =	shalt  }
0x75: {  	_ =	shalt  }
0x76: {  	_ =	shalt  }
0x77: {  	_ =	shalt  }
0x78: {  	_ =	shalt  }
0x79: {  	_ =	shalt  }
0x7a: {  	_ =	shalt  }
0x7b: {  	_ =	shalt  }
0x7c: {  	_ =	shalt  }
0x7d: {  	_ =	shalt  }
0x7e: {  	_ =	shalt  }
0x7f: {  	_ =	shalt  }
0x80: {  	_ =	shalt  }
0x81: {  	_ =	shalt  }
0x82: {  	_ =	shalt  }
0x83: {  	_ =	shalt  }
0x84: {  	_ =	shalt  }
0x85: {  	_ =	shalt  }
0x86: {  	_ =	shalt  }
0x87: {  	_ =	shalt  }
.Lfunc_end0:
.L_simem_size_0:
called_computation_lowered:
.L_overlay_start_0:
0x88: {  	s2 =	sld [smem:$0x3FD9]  }
0x89: {  	s3 =	sld [smem:$0x3FFE];
	_ =	sdelay $0x1  }
0x8a: {  	s1 =	srdreg.scid  }
0x8b: {  	s0 =	sand.u32 $0x1, s1  }
0x8c: {  	s16 =	sshll.u32 s0, $0xA;
	s2 =	sadd.s32 s3, s2  }
0x8d: {  	s2 =	sadd.s32 s2, s16  }
0x8e: {  	[smem:$0x3FC4] =	sst s2  }
0x8f: {  	_ = 	snop  }
0x90: {  	(tm) =	ssettm $0x1  }
0x91: {  	s17 =	sld [smem:$0x3FFB];
	_ =	sdelay $0x3  }
0x92: {  	_ =	strace s17  }
0x93: {  	s2 =	sld [smem:$0x3FFC];
	_ =	sdelay $0x3  }
0x94: {  	_ =	strace s2  }
0x95: {  	s2 =	sld [smem:$0x3FFD];
	_ =	sdelay $0x3  }
0x96: {  	_ =	strace s2  }
0x97: {  	_ =	strace $0x8FFFFFFF  }
0x98: {  	s18 =	sld [smem:$0x3FDB];
	_ =	sdelay $0x1  }
0x99: {  	s19 =	simm.s32 $_scs_section_size  }
0x9a: {  	s4 =	simm.s32 $_size__tile_overlayer_lowered;
	s5 =	simm.s32 $_tile_overlayer_lowered  }
0x9b: {  	s22 =	simm.s32 $0x1BFF;
	s21 =	sshll.u32 s5, $0x1;
	s2 =	sadd.s32 s19, s18  }
0x9c: {  	s6 =	simm.s32 $0x0;
	s20 =	sshll.u32 s4, $0x1;
	s4 =	sadd.s32 s21, s2  }
0x9d: {  	[timem:s6], [sflag:s22] =	dma.local [hbm:s4], s20  }
0x9e: {  	_ =	swait.ge [sflag:s22], s20  }
0x9f: {  	s3 =	ssub.s32 $0x0, s20;
	[sflag:s22] =	ssyncset.done $0x0  }
0xa0: {  	[sflag:s22] =	ssyncadd.s32 s3;
	_ =	sdelay $0x1  }
0xa1: {  	s23 =	simm.s32 $0x1B8B  }
0xa2: {  	_ =	swait.ge [sflag:s23], $0x1  }
0xa3: {  	[sflag:s23] =	ssyncset.done $0x0  }
0xa4: {  	s25 =	simm.s32 $0x1B8E;
	s24 =	sld [smem:$0x3FFE];
	[sflag:s23] =	ssyncadd.s32 $0xFFFFFFFF  }
0xa5: {  	s26 =	simm.s32 $execute0_lowered;
	[smem:$0x3FD2] =	sst s25  }
0xa6: {  	s4 =	sshll.u32 s26, $0x1;
	_ =	strace $0x80000046;
	[dreg:$0x1] =	wrdreg $0xFFFFFFFF  }
0xa7: {  	s28 =	simm.s32 $_size_execute0_lowered;
	s2 =	sadd.s32 s2, s4;
	[dreg:$0x0] =	wrdreg $0x0  }
0xa8: {  	s4 =	sshll.u32 s28, $0x1;
	[dreg:$0x2] =	wrdreg s2  }
0xa9: {  	[dreg:$0x3] =	wrdreg s4  }
0xaa: {  	[dreg:$0x4] =	wrdreg $0xC0  }
0xab: {  	_ =	task [dreg:s6], $0x5FFFF  }
0xac: {  	[dreg:$0x1] =	wrdreg $0xFFFFFFFF  }
0xad: {  	[dreg:$0x0] =	wrdreg $0x60  }
0xae: {  	[dreg:$0x2] =	wrdreg s24  }
0xaf: {  	[dreg:$0x3] =	wrdreg $0x9  }
0xb0: {  	_ =	task.clear_ibuf [dreg:s6], $0x4FFFF;
	_ =	strace $0x90000046  }
0xb1: {  	s29 =	simm.s32 $0x9;
	_ =	strace $0x80000048  }
0xb2: {  	_ =	swait.ge [sflag:s29], $0x1  }
0xb3: {  	[sflag:s29] =	ssyncadd.s32 $0xFFFFFFFF  }
0xb4: {  	_ =	strace $0x90000048  }
0xb5: {  	_ =	sfence  }
0xb6: {  	s30 =	sld [smem:$0x0];
	_ =	sdelay $0x2  }
0xb7: {  	s31 =	sshll.u32 s1, $0xD;
	s1 =	sshrl.u32 s1, $0x2  }
0xb8: {  	s3 =	sand.u32 $0x4000, s31;
	s1 =	sadd.s32 s1, s30  }
0xb9: {  	s0 =	sor.u32 s3, s0;
	s1 =	sshll.u32 s1, $0x11  }
0xba: {  	s0 =	sor.u32 s1, s0  }
0xbb: {  	s0 =	sadd.s32 $0x8F2B, s0  }
0xbc: {  	[sflag:s0] =	ssyncadd.remote.s32 $0x1  }
0xbd: {  	_ =	sfence.sel $0xFFFF  }
0xbe: {  	[dreg:$0x0] =	wrdreg $0xFFFFFFFF;
	(pc) =	sbr.abs _section_cstart, $3  }
0xbf: {  	[dreg:$0x1] =	wrdreg $0xFFFFFFFF  }
0xc0: {  	_ =	task.clear_ibuf [dreg:s6], $0x2FFFF;
	_ =	strace $0x9FFFFFFF  }
0xc1: {  	(tm) =	ssettm $0x7FFFFFFF  }
tec
execute0_lowered:
.L_overlay_start_1:
0x0: {  	(tag) =	ssettag $0x1  }
0x1: {  	s3 =	rddreg [dreg:$0x0];
	s1 =	srdreg.scid  }
0x2: {  	s0 =	rddreg [dreg:$0x1];
	s2 =	simm.s32 $0x0;
	s12 =	simm.s32 $0xB880  }
0x3: {  	s13 =	simm.s32 $0x1;
	s14 =	simm.s32 $0xF600;
	s15 =	simm.s32 $0x2  }
0x4: {  	s16 =	simm.s32 $0xF610;
	s17 =	simm.s32 $0x0;
	s4 =	sand.u32 $0x1, s1  }
0x5: {  	s1 =	stileid.u32;
	[smem:$0x7FF] =	sst s2;
	s5 =	sshll.u32 s4, $0x4  }
0x6: {  	s7 =	sadd.s32 $0x1400, s3;
	s4 =	ssub.s32 $0x2, s4;
	s5 =	sor.u32 s1, s5  }
0x7: {  	s8 =	sadd.s32 $0xF43800, s3;
	s9 =	sshrl.u32 s4, $0x1;
	s6 =	smul.u32 $0x7B00, s5  }
0x8: {  	_ =	strace $0x80000047;
	s5 =	sshll.u32 s5, $0x1;
	s9 =	ssub.s32 s4, s9  }
0x9: {  	s10 =	sadd.s32 s5, s3;
	s9 =	smax.u32 s9, $0x1;
	s6 =	sshrl.u32 s6, $0x3  }
0xa: {  	s11 =	sadd.s32 $0x7B0, s6;
	s3 =	sadd.s32 s7, s6;
	s5 =	sadd.s32 s8, s6  }
0xb: {  	s4 =	sadd.s32 s7, s11;
	s6 =	sadd.s32 s8, s11;
	s7 =	sadd.s32 $0x20000, s10  }
0xc: {  	v0 =	vimm.f32 $0.0e+00;
	s8 =	sadd.s32 $0x20200, s10;
	s10 =	simm.s32 $0x3D80;
	s11 =	simm.s32 $0x7B00  }
.LBB2_1:
0xd: {  	[tilespmem:s2], [sflag:$0x1] =	stream.linear.gather [hbm4b:s3+s2], $0x3D80, $0x38;
	[tilespmem:$0xF680] =	vst v63  }
0xe: {  	_ = 	snop  }
0xf: {  	[tilespmem:s10], [sflag:$0x1] =	stream.linear.gather [hbm4b:s4+s2], $0x3D80, $0x38;
	[tilespmem:$0xF680] =	vst v63  }
0x10: {  	_ = 	snop  }
0x11: {  	[tilespmem:s11], [sflag:$0x1] =	stream.linear.gather [hbm4b:s5+s2], $0x3D80, $0x38;
	[tilespmem:$0xF680] =	vst v63  }
0x12: {  	_ = 	snop  }
0x13: {  	[tilespmem:s12], [sflag:$0x1] =	stream.linear.gather [hbm4b:s6+s2], $0x3D80, $0x38;
	[tilespmem:$0xF680] =	vst v63  }
0x14: {  	_ =	swait.ge [sflag:s13], $0x3D80  }
0x15: {  	[sflag:s13] =	ssyncset.done $0x0  }
0x16: {  	[sflag:s13] =	ssyncadd.s32 $0xFFFFC280  }
0x17: {  	_ =	swait.ge [sflag:s13], $0x3D80  }
0x18: {  	[sflag:s13] =	ssyncset.done $0x0  }
0x19: {  	[sflag:s13] =	ssyncadd.s32 $0xFFFFC280  }
0x1a: {  	_ =	swait.ge [sflag:s13], $0x3D80  }
0x1b: {  	[sflag:s13] =	ssyncset.done $0x0  }
0x1c: {  	[sflag:s13] =	ssyncadd.s32 $0xFFFFC280  }
0x1d: {  	_ =	swait.ge [sflag:s13], $0x3D80  }
0x1e: {  	[sflag:s13] =	ssyncset.done $0x0  }
0x1f: {  	s18 =	simm.s32 $0x0;
	[sflag:s13] =	ssyncadd.s32 $0xFFFFC280  }
0x20: {  	v1 =	vld [tilespmem:s18+$0x0];
	_ =	sdelay $0x3  }
0x21: {  	s18 =	simm.f32 $+Inf  }
0x22: {  	vm0 =	vlt.f32 v1, s18  }
0x23: {  	v2 =	vsel vm0, $0x3F800000, v0  }
0x24: {  	(xrf0) =	vmax.scan.msk.f32 $0xffff, v2;
	_ =	sdelay $0x5  }
0x25: {  	v2, _, _ =	vpop (xrf0)  }
0x26: {  	(v2sf) =	vpush v2, $0xF;
	_ =	sdelay $0xe  }
0x27: {  	s19 =	spop (v2sf)  }
0x28: {  	p1 =	sgt.f32 s19, $0.0e+00;
	_ =	sdelay $0x1  }
0x29: {  	s19 =	simm.s32 @p1 $0x0  }
0x2a: {  	v2 =	vld @p1 [tilespmem:s19+$0x7B00];
	_ =	sdelay $0x4  }
0x2b: {  	(xrf1) =	vsort.dscd.msk.f32 @p1 $0xffff, v1, v2;
	_ =	sdelay $0xd  }
0x2c: {  	v1 =	vimm.f32 $+Inf;
	v2, v3, _ =	vpop @p1 (xrf1)  }
0x2d: {  	vm0 =	vle.f32 @p1 v1, v2  }
0x2e: {  	v2 =	vsel @p1 vm0, v1, v2;
	v3 =	vsel @p1 vm0, v0, v3  }
0x2f: {  	(xrf1) =	vsort.ascd.msk.f32 @p1 $0xffff, v2, v3;
	_ =	sdelay $0xd  }
0x30: {  	v2, v3, _ =	vpop @p1 (xrf1)  }
0x31: {  	(xrf0) =	vmax.scan.msk.f32 @p1 $0xffff, v2;
	_ =	sdelay $0x5  }
0x32: {  	v4, _, _ =	vpop @p1 (xrf0)  }
0x33: {  	s19 =	simm.s32 $0x40;
	v1 =	vpsel p1, v2, v1;
	v2 =	vpsel p1, v3, v0;
	(v2sf) =	vpush @p1 v4, $0xF  }
.LBB2_2:
0x34: {  	_ =	sdelay $0x9  }
0x35: {  	s20 =	sshra.s32 s19, $0x2;
	s21 =	smov.u32 s19;
	s19 =	sadd.s32 $0x40, s19  }
0x36: {  	v3 =	vld [tilespmem:s20+$0x0];
	p0 =	sne.s32 s19, $0x1EC00;
	_ =	sdelay $0x2  }
0x37: {  	s20 =	spop @p1 (v2sf)  }
0x38: {  	s18 =	smov.u32 @p1 s20  }
0x39: {  	vm0 =	vlt.f32 v3, s18  }
0x3a: {  	v4 =	vsel vm0, $0x3F800000, v0  }
0x3b: {  	(xrf0) =	vmax.scan.msk.f32 $0xffff, v4;
	_ =	sdelay $0x5  }
0x3c: {  	v4, _, _ =	vpop (xrf0)  }
0x3d: {  	(v2sf) =	vpush v4, $0xF;
	_ =	sdelay $0xe  }
0x3e: {  	s20 =	spop (v2sf)  }
0x3f: {  	p1 =	sgt.f32 s20, $0.0e+00;
	_ =	sdelay $0x1  }
0x40: {  	s20 =	sshra.s32 @p1 s21, $0x2  }
0x41: {  	v4 =	vld @p1 [tilespmem:s20+$0x7B00];
	_ =	sdelay $0x4  }
0x42: {  	(xrf1) =	vsort.dscd.msk.f32 @p1 $0xffff, v3, v4;
	_ =	sdelay $0xd  }
0x43: {  	v3, v4, _ =	vpop @p1 (xrf1)  }
0x44: {  	vm0 =	vle.f32 @p1 v1, v3  }
0x45: {  	v3 =	vsel @p1 vm0, v1, v3;
	v4 =	vsel @p1 vm0, v2, v4  }
0x46: {  	(xrf1) =	vsort.ascd.msk.f32 @p1 $0xffff, v3, v4;
	_ =	sdelay $0xd  }
0x47: {  	v3, v4, _ =	vpop @p1 (xrf1)  }
0x48: {  	v1 =	vpsel p1, v3, v1;
	v2 =	vpsel p1, v4, v2;
	(xrf0) =	vmax.scan.msk.f32 @p1 $0xffff, v3;
	_ =	sdelay $0x2  }
.Ltmp0:
0x49: {  	(pc) =	sbr.rel @p0 .LBB2_2-.Ltmp0, $3  }
0x4a: {  	_ =	sdelay $0x1  }
0x4b: {  	v3, _, _ =	vpop @p1 (xrf0)  }
0x4c: {  	(v2sf) =	vpush @p1 v3, $0xF  }
0x4d: {  	_ =	sdelay $0xa  }
0x4e: {  	[tilespmem:$0xF600] =	vst v1  }
0x4f: {  	[tilespmem:$0xF610] =	vst v2  }
0x50: {  	[hbm4b:s7+s2] =	stream.linear.scatter [tilespmem:s14], [sflag:$0x2], $0x10, $0x38;
	[tilespmem:$0xF680] =	vst v63  }
0x51: {  	s18 =	spop @p1 (v2sf)  }
0x52: {  	s17 =	sadd.s32 $0x1, s17;
	_ =	swait.ge [sflag:s15], $0x10  }
0x53: {  	p0 =	sne.s32 s17, s9;
	[sflag:s15] =	ssyncset.done $0x0  }
.Ltmp1:
0x54: {  	[sflag:s15] =	ssyncadd.s32 $0xFFFFFFF0;
	(pc) =	sbr.rel @p0 .LBB2_1-.Ltmp1, $4  }
0x55: {  	[hbm4b:s8+s2] =	stream.linear.scatter [tilespmem:s16], [sflag:$0x2], $0x10, $0x38;
	[tilespmem:$0xF680] =	vst v63  }
0x56: {  	_ =	swait.ge [sflag:s15], $0x10  }
0x57: {  	[sflag:s15] =	ssyncset.done $0x0  }
0x58: {  	[sflag:s15] =	ssyncadd.s32 $0xFFFFFFF0  }
0x59: {  	_ =	sfence.sel $0x180000  }
0x5a: {  	[bflag:$0x0] =	sbarrier.arrive $0xFFFF  }
0x5b: {  	p0 =	sne.s32 s1, $0x0;
	_ =	strace $0x90000047  }
0x5c: {  	s0 =	sadd.s32 @!p0 $0x100000, s0;
	[bflag:$0x2] =	sbarrier.arrive $0xFFFF  }
0x5d: {  	[sflag:s0] =	ssyncadd.tile.s32 @!p0 $0x1;
	_ =	shalt  }
.Lfunc_end2:
_tile_overlayer_lowered:
.L_overlay_start_2:
0x5e: {  	(tag) =	ssettag $0x2  }
0x5f: {  	s0 =	rddreg [dreg:$0x0];
	s2 =	stileid.u32  }
0x60: {  	s1 =	rddreg [dreg:$0x1];
	p0 =	sne.s32 s2, $0x0  }
0x61: {  	s3 =	rddreg [dreg:$0x2];
	[bflag:$0x3] =	sbarrier.arrive $0xFFFF;
	s2 =	simm.s32 @!p0 $0x1C02  }
0x62: {  	[timem:s3], [sflag:s2] =	dma.local @!p0 [hbm:s0], s1  }
0x63: {  	s0 =	simm.s32 @!p0 $0x2  }
0x64: {  	_ =	swait.ge @!p0 [sflag:s0], s1  }
0x65: {  	s1 =	ssub.s32 @!p0 $0x0, s1;
	[sflag:s0] =	ssyncset.done @!p0 $0x0  }
0x66: {  	[sflag:s0] =	ssyncadd.s32 @!p0 s1  }
0x67: {  	[bflag:$0x3] =	sbarrier.arrive $0xFFFF  }
0x68: {  	_ =	shalt  }

</sc_bundles>
